<compile_context>
chip_gen: v7x
topology: tpu7x:2x2x1
jax: 0.10.2.dev20260603
libtpu: 0.0.44.dev20260713+nightly
codegen_flags: <defaults>
</compile_context>

<pallas_src>
import functools

import jax
import jax.numpy as jnp
from jax import lax
from jax.experimental import pallas as pl
from jax.experimental.pallas import tpu as pltpu
from jax.experimental.pallas import tpu_sc as plsc

_NC = 2
_NS = 16
_NW = _NC * _NS
_EP = 128
_G = 4096
_TB1 = 2048
_TB2 = 2048
_HI = 32
_LO = 32
_C8 = 8


def _make_sc_gather(G):
    t_pw = G // _NW
    n_tr = -(-t_pw // 128)
    assert t_pw % n_tr == 0
    per = t_pw // n_tr
    mesh = plsc.VectorSubcoreMesh(
        core_axis_name="c", subcore_axis_name="s",
        num_cores=_NC, num_subcores=_NS,
    )

    @functools.partial(
        pl.kernel,
        out_type=jax.ShapeDtypeStruct((G, _EP), jnp.float32),
        mesh=mesh,
        scratch_types=[
            pltpu.VMEM((t_pw,), jnp.int32),
            pltpu.VMEM((t_pw, _EP), jnp.float32),
            pltpu.SemaphoreType.DMA,
        ],
    )
    def gather(ids_hbm, emb_hbm, out_hbm, idx_v, rows_v, sem):
        wid = lax.axis_index("s") * _NC + lax.axis_index("c")
        base = wid * t_pw
        pltpu.sync_copy(ids_hbm.at[0, pl.ds(base, t_pw)], idx_v)
        handles = [
            pltpu.async_copy(
                emb_hbm.at[idx_v.at[pl.ds(c * per, per)]],
                rows_v.at[pl.ds(c * per, per)],
                sem,
            )
            for c in range(n_tr)
        ]
        for h in handles:
            h.wait()
        pltpu.sync_copy(rows_v, out_hbm.at[pl.ds(base, t_pw)])

    return gather


def _w8(w_ref, b_ref):
    return jnp.concatenate(
        [w_ref[...], b_ref[...],
         jnp.zeros((_C8 - w_ref.shape[0] - 1, w_ref.shape[1]), jnp.float32)],
        axis=0).astype(jnp.bfloat16)


def _onehot_body(TB, ids_ref, emb_ref, w_ref, b_ref, o_ref):
    ids = ids_ref[0, :]
    lo16 = (ids & (_LO - 1)).astype(jnp.int16)
    hi = ids >> 5
    iota_lo = lax.broadcasted_iota(jnp.int16, (_LO, TB), 0)
    iota_hi = lax.broadcasted_iota(jnp.int32, (_HI, TB), 0)
    oh_lo = jnp.where(iota_lo == lax.broadcast_in_dim(lo16, (_LO, TB), (1,)),
                      jnp.bfloat16(1.0), jnp.bfloat16(0.0))
    oh_hi = jnp.where(iota_hi == lax.broadcast_in_dim(hi, (_HI, TB), (1,)),
                      jnp.float32(1.0), jnp.float32(0.0))
    emb3r = jnp.concatenate(
        [emb_ref[pl.ds(a * _LO, _LO), pl.ds(0, _C8)] for a in range(_HI)],
        axis=1).astype(jnp.bfloat16)
    g8 = lax.dot_general(
        emb3r, oh_lo,
        dimension_numbers=(((0,), (0,)), ((), ())),
        preferred_element_type=jnp.float32,
    )
    h8 = g8[0:_C8, :] * oh_hi[0:1, :]
    for a in range(1, _HI):
        h8 = h8 + g8[a * _C8:(a + 1) * _C8, :] * oh_hi[a:a + 1, :]
    o_ref[...] = lax.dot_general(
        _w8(w_ref, b_ref), h8.astype(jnp.bfloat16),
        dimension_numbers=(((0,), (0,)), ((), ())),
        preferred_element_type=jnp.float32,
    )


def _tc1_onehot_proj(ids3, emb_pad_bf, w_t, b_row, V, T, G):
    nb = (T - G) // _TB1
    off = G // _TB1
    D = w_t.shape[0]
    return pl.pallas_call(
        functools.partial(_onehot_body, _TB1),
        grid=(nb,),
        in_specs=[
            pl.BlockSpec((1, _TB1), lambda i: (0, i + off)),
            pl.BlockSpec((_HI * _LO, _EP), lambda i: (0, 0)),
            pl.BlockSpec((D, V), lambda i: (0, 0)),
            pl.BlockSpec((1, V), lambda i: (0, 0)),
        ],
        out_specs=pl.BlockSpec((V, _TB1), lambda i: (0, i + off)),
        out_shape=jax.ShapeDtypeStruct((V, T), jnp.float32),
    )(ids3, emb_pad_bf, w_t, b_row)


def _tc2_body(prev_ref, w_ref, b_ref, h_ref, o_ref):
    h8 = h_ref[...][:, :_C8].astype(jnp.bfloat16)
    o_ref[...] = lax.dot_general(
        _w8(w_ref, b_ref), h8,
        dimension_numbers=(((0,), (1,)), ((), ())),
        preferred_element_type=jnp.float32,
    )


def _tc2_fill(prev, w_t, b_row, hidden_lo, V, T, G):
    D = w_t.shape[0]
    return pl.pallas_call(
        _tc2_body,
        grid=(G // _TB2,),
        in_specs=[
            pl.BlockSpec(memory_space=pl.ANY),
            pl.BlockSpec((D, V), lambda i: (0, 0)),
            pl.BlockSpec((1, V), lambda i: (0, 0)),
            pl.BlockSpec((_TB2, _EP), lambda i: (i, 0)),
        ],
        out_specs=pl.BlockSpec((V, _TB2), lambda i: (0, i)),
        out_shape=jax.ShapeDtypeStruct((V, T), jnp.float32),
        input_output_aliases={0: 0},
    )(prev, w_t, b_row, hidden_lo)


def kernel(input_ids, cu_seq_lens_q, cu_seq_lens_k, max_length_q,
           max_length_k, position_ids, text_position_ids, pack_num_samples,
           embed_table, W, b):
    B, T0 = input_ids.shape
    V, D = embed_table.shape
    T = B * T0
    ids = input_ids.astype(jnp.int32)
    emb_pad = jnp.pad(
        jnp.concatenate(
            [embed_table, jnp.ones((V, 1), jnp.float32),
             jnp.zeros((V, _EP - D - 1), jnp.float32)], axis=1),
        ((0, _HI * _LO - V), (0, 0)))
    w_t = W.T
    b_row = b.reshape(1, V)
    hidden_lo = _make_sc_gather(_G)(ids, emb_pad)
    out_t = _tc1_onehot_proj(ids, emb_pad, w_t, b_row, V, T, _G)
    out_t = _tc2_fill(out_t, w_t, b_row, hidden_lo, V, T, _G)
    return jnp.transpose(out_t).reshape(B, T0, V)

# --- scband reference (transcript-rebuilt; emitter-appended) ---
"""Pipeline reference for scband-packed-suffix-model-53309134078255 (READ-ONLY COPY).

The authoritative reference and input builder live on the scoring server;
editing this copy changes nothing except your own understanding.
"""

import jax, jax.numpy as jnp
import numpy as np

B, T, V, D = 1, 8192, 1000, 5
NSEQ = 8

def _make_cu(key, total, nseq):
    inner = jnp.sort(jax.random.randint(key, (nseq - 1,), 0, total))
    return jnp.concatenate([jnp.array([0], dtype=jnp.int32), inner.astype(jnp.int32), jnp.array([total], dtype=jnp.int32)])

def setup_inputs(seed: int = 0) -> dict:
    key = jax.random.key(seed)
    ks = jax.random.split(key, 8)
    input_ids = jax.random.randint(ks[0], (B, T), 0, V)
    cu_seq_lens_q = _make_cu(ks[1], T, NSEQ)
    cu_seq_lens_k = cu_seq_lens_q
    position_ids = jax.random.randint(ks[2], (B, T), 0, 2048)
    text_position_ids = jax.random.randint(ks[3], (T,), 0, 2048)
    pack_num_samples = jnp.array([NSEQ], dtype=jnp.int32)
    # learned params sized per init: Embedding(V, 5), Linear(5, V)
    embed_table = jax.random.normal(ks[4], (V, D), dtype=jnp.float32)
    W = jax.random.normal(ks[5], (V, D), dtype=jnp.float32) * (1.0 / np.sqrt(D))
    b = jax.random.normal(ks[6], (V,), dtype=jnp.float32) * 0.01
    return {
        'input_ids': input_ids,
        'cu_seq_lens_q': cu_seq_lens_q,
        'cu_seq_lens_k': cu_seq_lens_k,
        'max_length_q': 2048,
        'max_length_k': 2048,
        'position_ids': position_ids,
        'text_position_ids': text_position_ids,
        'pack_num_samples': pack_num_samples,
        'embed_table': embed_table,
        'W': W,
        'b': b,
    }

def reference(input_ids, cu_seq_lens_q, cu_seq_lens_k, max_length_q, max_length_k, position_ids, text_position_ids, pack_num_samples, embed_table, W, b):
    # _PackedSuffixModel.forward: logits must NOT be cropped (no logits_to_keep).
    # The packing metadata (cu_seq_lens, max_lengths, position ids, pack_num_samples)
    # is only recorded by the torch module, not used in the math.
    hidden = jnp.take(embed_table, input_ids, axis=0)  # [B, T, D] embedding gather
    logits = hidden @ W.T + b                           # nn.Linear(D, V)
    return logits

if __name__ == "__main__":
    import jax
    _d = setup_inputs()
    print(jax.jit(kernel)(*tuple(_d.values())))

</pallas_src>

<mosaic_0001>
#map = affine_map<(d0, d1) -> (0, 0)>
module attributes {stable_mosaic.version = 14 : i64} {
  func.func @gather(%arg0: i32, %arg1: i32, %arg2: memref<1x8192xi32, #tpu.memory_space<hbm>>, %arg3: memref<1024x128xf32, #tpu.memory_space<hbm>>, %arg4: memref<4096x128xf32, #tpu.memory_space<hbm>>, %arg5: memref<128xi32, #tpu.memory_space<vmem>>, %arg6: memref<128x128xf32, #tpu.memory_space<vmem>>, %arg7: memref<!tpu.dma_semaphore, #tpu.memory_space<semaphore_mem>>) attributes {dimension_semantics = [#tpu.dimension_semantics<core_parallel>, #tpu.dimension_semantics<subcore_parallel>], iteration_bounds = array<i64: 2, 16>, scalar_prefetch = 0 : i64, scratch_operands = 3 : i64, tpu.core_type = #tpu.core_type<sc_vector_subcore>, window_params = [{transform_indices = #map}, {transform_indices = #map}, {transform_indices = #map}]} {
    %mul3A = arith.constant 2 : i32
    %mul3A_0 = arith.muli %arg1, %mul3A : i32
    %add3A = arith.addi %mul3A_0, %arg0 : i32
    %mul3A_1 = arith.constant 128 : i32
    %mul3A_2 = arith.muli %add3A, %mul3A_1 : i32
    %run_scoped3A = arith.constant 0 : i32
    "tpu.region"() ({
      %run_scoped3A_17 = tpu.sem_alloc : memref<!tpu.dma_semaphore, #tpu.memory_space<semaphore_mem>>
      %dma_start3A_18 = tpu.memref_slice %arg2[%run_scoped3A, %mul3A_2] : memref<1x8192xi32, #tpu.memory_space<hbm>> -> memref<1x128xi32, #tpu.memory_space<hbm>>
      %dma_start3A_19 = tpu.memref_squeeze %dma_start3A_18 : memref<1x128xi32, #tpu.memory_space<hbm>> -> memref<128xi32, #tpu.memory_space<hbm>>
      %dma_start3A_20 = tpu.memref_slice %arg2[%run_scoped3A, %mul3A_2] : memref<1x8192xi32, #tpu.memory_space<hbm>> -> memref<1x128xi32, #tpu.memory_space<hbm>>
      %dma_start3A_21 = tpu.memref_squeeze %dma_start3A_20 : memref<1x128xi32, #tpu.memory_space<hbm>> -> memref<128xi32, #tpu.memory_space<hbm>>
      tpu.enqueue_dma source(%dma_start3A_21 : memref<128xi32, #tpu.memory_space<hbm>>) target(%arg5 : memref<128xi32, #tpu.memory_space<vmem>>) target_semaphore(%run_scoped3A_17 : memref<!tpu.dma_semaphore, #tpu.memory_space<semaphore_mem>>)
      %dma_wait3A_22 = tpu.memref_slice %arg2[%run_scoped3A, %mul3A_2] : memref<1x8192xi32, #tpu.memory_space<hbm>> -> memref<1x128xi32, #tpu.memory_space<hbm>>
      %dma_wait3A_23 = tpu.memref_squeeze %dma_wait3A_22 : memref<1x128xi32, #tpu.memory_space<hbm>> -> memref<128xi32, #tpu.memory_space<hbm>>
      %dma_wait3A_24 = tpu.memref_slice %arg2[%run_scoped3A, %mul3A_2] : memref<1x8192xi32, #tpu.memory_space<hbm>> -> memref<1x128xi32, #tpu.memory_space<hbm>>
      %dma_wait3A_25 = tpu.memref_squeeze %dma_wait3A_24 : memref<1x128xi32, #tpu.memory_space<hbm>> -> memref<128xi32, #tpu.memory_space<hbm>>
      tpu.wait_dma2 semaphore(%run_scoped3A_17 : memref<!tpu.dma_semaphore, #tpu.memory_space<semaphore_mem>>) src(%dma_wait3A_25 : memref<128xi32, #tpu.memory_space<hbm>>) dst(%arg5 : memref<128xi32, #tpu.memory_space<vmem>>)
      tpu.yield
    }) : () -> ()
    %dma_start3A = arith.constant 0 : i32
    %dma_start3A_3 = arith.constant 0 : i32
    %dma_start3A_4 = tpu.memref_slice %arg6[%dma_start3A, %dma_start3A_3] : memref<128x128xf32, #tpu.memory_space<vmem>> -> memref<128x128xf32, #tpu.memory_space<vmem>>
    %dma_start3A_5 = arith.constant 0 : i32
    %dma_start3A_6 = tpu.memref_slice %arg5[%dma_start3A_5] : memref<128xi32, #tpu.memory_space<vmem>> -> memref<128xi32, #tpu.memory_space<vmem>>
    %dma_start3A_7 = arith.constant 0 : i32
    %dma_start3A_8 = arith.constant 0 : i32
    %dma_start3A_9 = tpu.memref_slice %arg3[%dma_start3A_7, %dma_start3A_8] : memref<1024x128xf32, #tpu.memory_space<hbm>> -> memref<1024x128xf32, #tpu.memory_space<hbm>>
    tpu.enqueue_indirect_dma source(%dma_start3A_9 : memref<1024x128xf32, #tpu.memory_space<hbm>>) target(%dma_start3A_4 : memref<128x128xf32, #tpu.memory_space<vmem>>) offsets(%dma_start3A_6 : memref<128xi32, #tpu.memory_space<vmem>>) semaphore(%arg7 : memref<!tpu.dma_semaphore, #tpu.memory_space<semaphore_mem>>)
    %dma_wait3A = arith.constant 0 : i32
    %dma_wait3A_10 = arith.constant 0 : i32
    %dma_wait3A_11 = tpu.memref_slice %arg6[%dma_wait3A, %dma_wait3A_10] : memref<128x128xf32, #tpu.memory_space<vmem>> -> memref<128x128xf32, #tpu.memory_space<vmem>>
    %dma_wait3A_12 = arith.constant 0 : i32
    %dma_wait3A_13 = tpu.memref_slice %arg5[%dma_wait3A_12] : memref<128xi32, #tpu.memory_space<vmem>> -> memref<128xi32, #tpu.memory_space<vmem>>
    %dma_wait3A_14 = arith.constant 0 : i32
    %dma_wait3A_15 = arith.constant 0 : i32
    %dma_wait3A_16 = tpu.memref_slice %arg3[%dma_wait3A_14, %dma_wait3A_15] : memref<1024x128xf32, #tpu.memory_space<hbm>> -> memref<1024x128xf32, #tpu.memory_space<hbm>>
    tpu.wait_indirect_dma semaphore(%arg7 : memref<!tpu.dma_semaphore, #tpu.memory_space<semaphore_mem>>) src(%dma_wait3A_16 : memref<1024x128xf32, #tpu.memory_space<hbm>>) dst(%dma_wait3A_11 : memref<128x128xf32, #tpu.memory_space<vmem>>)
    "tpu.region"() ({
      %run_scoped3A_17 = tpu.sem_alloc : memref<!tpu.dma_semaphore, #tpu.memory_space<semaphore_mem>>
      %dma_start3A_18 = arith.constant 0 : i32
      %dma_start3A_19 = tpu.memref_slice %arg4[%mul3A_2, %dma_start3A_18] : memref<4096x128xf32, #tpu.memory_space<hbm>> -> memref<128x128xf32, #tpu.memory_space<hbm>>
      %dma_start3A_20 = arith.constant 0 : i32
      %dma_start3A_21 = tpu.memref_slice %arg4[%mul3A_2, %dma_start3A_20] : memref<4096x128xf32, #tpu.memory_space<hbm>> -> memref<128x128xf32, #tpu.memory_space<hbm>>
      tpu.enqueue_dma source(%arg6 : memref<128x128xf32, #tpu.memory_space<vmem>>) target(%dma_start3A_21 : memref<128x128xf32, #tpu.memory_space<hbm>>) target_semaphore(%run_scoped3A_17 : memref<!tpu.dma_semaphore, #tpu.memory_space<semaphore_mem>>)
      %dma_wait3A_22 = arith.constant 0 : i32
      %dma_wait3A_23 = tpu.memref_slice %arg4[%mul3A_2, %dma_wait3A_22] : memref<4096x128xf32, #tpu.memory_space<hbm>> -> memref<128x128xf32, #tpu.memory_space<hbm>>
      %dma_wait3A_24 = arith.constant 0 : i32
      %dma_wait3A_25 = tpu.memref_slice %arg4[%mul3A_2, %dma_wait3A_24] : memref<4096x128xf32, #tpu.memory_space<hbm>> -> memref<128x128xf32, #tpu.memory_space<hbm>>
      tpu.wait_dma2 semaphore(%run_scoped3A_17 : memref<!tpu.dma_semaphore, #tpu.memory_space<semaphore_mem>>) src(%arg6 : memref<128x128xf32, #tpu.memory_space<vmem>>) dst(%dma_wait3A_25 : memref<128x128xf32, #tpu.memory_space<hbm>>)
      tpu.yield
    }) : () -> ()
    return
  }
}

module attributes {stable_mosaic.version = 14 : i64} {
  func.func @_onehot_body(%arg0: i32, %arg1: memref<1x2048xi32, #tpu.memory_space<vmem>>, %arg2: memref<1024x128xf32, #tpu.memory_space<vmem>>, %arg3: memref<5x1000xf32, #tpu.memory_space<vmem>>, %arg4: memref<1x1000xf32, #tpu.memory_space<vmem>>, %arg5: memref<1000x2048xf32, #tpu.memory_space<vmem>>) attributes {dimension_semantics = [#tpu.dimension_semantics<arbitrary>], iteration_bounds = array<i64: 2>, scalar_prefetch = 0 : i64, scratch_operands = 0 : i64, tpu.core_type = #tpu.core_type<tc>, window_params = [{transform_indices = @transform_0, window_bounds = array<i64: 1, 2048>}, {pipeline_mode = #tpu.pipeline_mode<synchronous>, transform_indices = @transform_1, window_bounds = array<i64: 1024, 128>}, {pipeline_mode = #tpu.pipeline_mode<synchronous>, transform_indices = @transform_2, window_bounds = array<i64: 5, 1000>}, {pipeline_mode = #tpu.pipeline_mode<synchronous>, transform_indices = @transform_3, window_bounds = array<i64: 1, 1000>}, {transform_indices = @transform_4, window_bounds = array<i64: 1000, 2048>}]} {
    %get3A = arith.constant 0 : index
    %get3A_0 = arith.constant 0 : index
    %get3A_1 = vector.load %arg1[%get3A, %get3A_0] : memref<1x2048xi32, #tpu.memory_space<vmem>>, vector<1x2048xi32>
    %get3A_2 = vector.shape_cast %get3A_1 : vector<1x2048xi32> to vector<2048xi32>
    %and3A = arith.constant 31 : i32
    %and3A_3 = vector.broadcast %and3A : i32 to vector<2048xi32>
    %and3A_4 = arith.andi %get3A_2, %and3A_3 : vector<2048xi32>
    %convert_element_type3A = arith.trunci %and3A_4 : vector<2048xi32> to vector<2048xi16>
    %shift_right_arithmetic3A = arith.constant 5 : i32
    %shift_right_arithmetic3A_5 = vector.broadcast %shift_right_arithmetic3A : i32 to vector<2048xi32>
    %shift_right_arithmetic3A_6 = arith.shrsi %get3A_2, %shift_right_arithmetic3A_5 : vector<2048xi32>
    %iota3A = tpu.iota {dimensions = array<i32: 0>} : vector<32x2048xi16>
    %iota3A_7 = tpu.iota {dimensions = array<i32: 0>} : vector<32x2048xi32>
    %broadcast_in_dim3A = vector.shape_cast %convert_element_type3A : vector<2048xi16> to vector<1x2048xi16>
    %broadcast_in_dim3A_8 = vector.broadcast %broadcast_in_dim3A : vector<1x2048xi16> to vector<32x2048xi16>
    %eq3A = arith.cmpi eq, %iota3A, %broadcast_in_dim3A_8 : vector<32x2048xi16>
    %jit3A = arith.constant 1.000000e+00 : bf16
    %jit3A_9 = arith.constant 0.000000e+00 : bf16
    %broadcast_in_dim3A_10 = vector.broadcast %jit3A : bf16 to vector<32x2048xbf16>
    %broadcast_in_dim3A_11 = vector.broadcast %jit3A_9 : bf16 to vector<32x2048xbf16>
    %select_n3A = arith.select %eq3A, %broadcast_in_dim3A_10, %broadcast_in_dim3A_11 : vector<32x2048xi1>, vector<32x2048xbf16>
    %broadcast_in_dim3A_12 = vector.shape_cast %shift_right_arithmetic3A_6 : vector<2048xi32> to vector<1x2048xi32>
    %broadcast_in_dim3A_13 = vector.broadcast %broadcast_in_dim3A_12 : vector<1x2048xi32> to vector<32x2048xi32>
    %eq3A_14 = arith.cmpi eq, %iota3A_7, %broadcast_in_dim3A_13 : vector<32x2048xi32>
    %jit3A_15 = arith.constant 1.000000e+00 : f32
    %jit3A_16 = arith.constant 0.000000e+00 : f32
    %broadcast_in_dim3A_17 = vector.broadcast %jit3A_15 : f32 to vector<32x2048xf32>
    %broadcast_in_dim3A_18 = vector.broadcast %jit3A_16 : f32 to vector<32x2048xf32>
    %select_n3A_19 = arith.select %eq3A_14, %broadcast_in_dim3A_17, %broadcast_in_dim3A_18 : vector<32x2048xi1>, vector<32x2048xf32>
    %get3A_20 = arith.constant 0 : index
    %get3A_21 = arith.constant 0 : index
    %get3A_22 = vector.load %arg2[%get3A_20, %get3A_21] : memref<1024x128xf32, #tpu.memory_space<vmem>>, vector<32x8xf32>
    %get3A_23 = arith.constant 32 : index
    %get3A_24 = arith.constant 0 : index
    %get3A_25 = vector.load %arg2[%get3A_23, %get3A_24] : memref<1024x128xf32, #tpu.memory_space<vmem>>, vector<32x8xf32>
    %get3A_26 = arith.constant 64 : index
    %get3A_27 = arith.constant 0 : index
    %get3A_28 = vector.load %arg2[%get3A_26, %get3A_27] : memref<1024x128xf32, #tpu.memory_space<vmem>>, vector<32x8xf32>
    %get3A_29 = arith.constant 96 : index
    %get3A_30 = arith.constant 0 : index
    %get3A_31 = vector.load %arg2[%get3A_29, %get3A_30] : memref<1024x128xf32, #tpu.memory_space<vmem>>, vector<32x8xf32>
    %get3A_32 = arith.constant 128 : index
    %get3A_33 = arith.constant 0 : index
    %get3A_34 = vector.load %arg2[%get3A_32, %get3A_33] : memref<1024x128xf32, #tpu.memory_space<vmem>>, vector<32x8xf32>
    %get3A_35 = arith.constant 160 : index
    %get3A_36 = arith.constant 0 : index
    %get3A_37 = vector.load %arg2[%get3A_35, %get3A_36] : memref<1024x128xf32, #tpu.memory_space<vmem>>, vector<32x8xf32>
    %get3A_38 = arith.constant 192 : index
    %get3A_39 = arith.constant 0 : index
    %get3A_40 = vector.load %arg2[%get3A_38, %get3A_39] : memref<1024x128xf32, #tpu.memory_space<vmem>>, vector<32x8xf32>
    %get3A_41 = arith.constant 224 : index
    %get3A_42 = arith.constant 0 : index
    %get3A_43 = vector.load %arg2[%get3A_41, %get3A_42] : memref<1024x128xf32, #tpu.memory_space<vmem>>, vector<32x8xf32>
    %get3A_44 = arith.constant 256 : index
    %get3A_45 = arith.constant 0 : index
    %get3A_46 = vector.load %arg2[%get3A_44, %get3A_45] : memref<1024x128xf32, #tpu.memory_space<vmem>>, vector<32x8xf32>
    %get3A_47 = arith.constant 288 : index
    %get3A_48 = arith.constant 0 : index
    %get3A_49 = vector.load %arg2[%get3A_47, %get3A_48] : memref<1024x128xf32, #tpu.memory_space<vmem>>, vector<32x8xf32>
    %get3A_50 = arith.constant 320 : index
    %get3A_51 = arith.constant 0 : index
    %get3A_52 = vector.load %arg2[%get3A_50, %get3A_51] : memref<1024x128xf32, #tpu.memory_space<vmem>>, vector<32x8xf32>
    %get3A_53 = arith.constant 352 : index
    %get3A_54 = arith.constant 0 : index
    %get3A_55 = vector.load %arg2[%get3A_53, %get3A_54] : memref<1024x128xf32, #tpu.memory_space<vmem>>, vector<32x8xf32>
    %get3A_56 = arith.constant 384 : index
    %get3A_57 = arith.constant 0 : index
    %get3A_58 = vector.load %arg2[%get3A_56, %get3A_57] : memref<1024x128xf32, #tpu.memory_space<vmem>>, vector<32x8xf32>
    %get3A_59 = arith.constant 416 : index
    %get3A_60 = arith.constant 0 : index
    %get3A_61 = vector.load %arg2[%get3A_59, %get3A_60] : memref<1024x128xf32, #tpu.memory_space<vmem>>, vector<32x8xf32>
    %get3A_62 = arith.constant 448 : index
    %get3A_63 = arith.constant 0 : index
    %get3A_64 = vector.load %arg2[%get3A_62, %get3A_63] : memref<1024x128xf32, #tpu.memory_space<vmem>>, vector<32x8xf32>
    %get3A_65 = arith.constant 480 : index
    %get3A_66 = arith.constant 0 : index
    %get3A_67 = vector.load %arg2[%get3A_65, %get3A_66] : memref<1024x128xf32, #tpu.memory_space<vmem>>, vector<32x8xf32>
    %get3A_68 = arith.constant 512 : index
    %get3A_69 = arith.constant 0 : index
    %get3A_70 = vector.load %arg2[%get3A_68, %get3A_69] : memref<1024x128xf32, #tpu.memory_space<vmem>>, vector<32x8xf32>
    %get3A_71 = arith.constant 544 : index
    %get3A_72 = arith.constant 0 : index
    %get3A_73 = vector.load %arg2[%get3A_71, %get3A_72] : memref<1024x128xf32, #tpu.memory_space<vmem>>, vector<32x8xf32>
    %get3A_74 = arith.constant 576 : index
    %get3A_75 = arith.constant 0 : index
    %get3A_76 = vector.load %arg2[%get3A_74, %get3A_75] : memref<1024x128xf32, #tpu.memory_space<vmem>>, vector<32x8xf32>
    %get3A_77 = arith.constant 608 : index
    %get3A_78 = arith.constant 0 : index
    %get3A_79 = vector.load %arg2[%get3A_77, %get3A_78] : memref<1024x128xf32, #tpu.memory_space<vmem>>, vector<32x8xf32>
    %get3A_80 = arith.constant 640 : index
    %get3A_81 = arith.constant 0 : index
    %get3A_82 = vector.load %arg2[%get3A_80, %get3A_81] : memref<1024x128xf32, #tpu.memory_space<vmem>>, vector<32x8xf32>
    %get3A_83 = arith.constant 672 : index
    %get3A_84 = arith.constant 0 : index
    %get3A_85 = vector.load %arg2[%get3A_83, %get3A_84] : memref<1024x128xf32, #tpu.memory_space<vmem>>, vector<32x8xf32>
    %get3A_86 = arith.constant 704 : index
    %get3A_87 = arith.constant 0 : index
    %get3A_88 = vector.load %arg2[%get3A_86, %get3A_87] : memref<1024x128xf32, #tpu.memory_space<vmem>>, vector<32x8xf32>
    %get3A_89 = arith.constant 736 : index
    %get3A_90 = arith.constant 0 : index
    %get3A_91 = vector.load %arg2[%get3A_89, %get3A_90] : memref<1024x128xf32, #tpu.memory_space<vmem>>, vector<32x8xf32>
    %get3A_92 = arith.constant 768 : index
    %get3A_93 = arith.constant 0 : index
    %get3A_94 = vector.load %arg2[%get3A_92, %get3A_93] : memref<1024x128xf32, #tpu.memory_space<vmem>>, vector<32x8xf32>
    %get3A_95 = arith.constant 800 : index
    %get3A_96 = arith.constant 0 : index
    %get3A_97 = vector.load %arg2[%get3A_95, %get3A_96] : memref<1024x128xf32, #tpu.memory_space<vmem>>, vector<32x8xf32>
    %get3A_98 = arith.constant 832 : index
    %get3A_99 = arith.constant 0 : index
    %get3A_100 = vector.load %arg2[%get3A_98, %get3A_99] : memref<1024x128xf32, #tpu.memory_space<vmem>>, vector<32x8xf32>
    %get3A_101 = arith.constant 864 : index
    %get3A_102 = arith.constant 0 : index
    %get3A_103 = vector.load %arg2[%get3A_101, %get3A_102] : memref<1024x128xf32, #tpu.memory_space<vmem>>, vector<32x8xf32>
    %get3A_104 = arith.constant 896 : index
    %get3A_105 = arith.constant 0 : index
    %get3A_106 = vector.load %arg2[%get3A_104, %get3A_105] : memref<1024x128xf32, #tpu.memory_space<vmem>>, vector<32x8xf32>
    %get3A_107 = arith.constant 928 : index
    %get3A_108 = arith.constant 0 : index
    %get3A_109 = vector.load %arg2[%get3A_107, %get3A_108] : memref<1024x128xf32, #tpu.memory_space<vmem>>, vector<32x8xf32>
    %get3A_110 = arith.constant 960 : index
    %get3A_111 = arith.constant 0 : index
    %get3A_112 = vector.load %arg2[%get3A_110, %get3A_111] : memref<1024x128xf32, #tpu.memory_space<vmem>>, vector<32x8xf32>
    %get3A_113 = arith.constant 992 : index
    %get3A_114 = arith.constant 0 : index
    %get3A_115 = vector.load %arg2[%get3A_113, %get3A_114] : memref<1024x128xf32, #tpu.memory_space<vmem>>, vector<32x8xf32>
    %concatenate3A = tpu.concatenate %get3A_22, %get3A_25, %get3A_28, %get3A_31, %get3A_34, %get3A_37, %get3A_40, %get3A_43, %get3A_46, %get3A_49, %get3A_52, %get3A_55, %get3A_58, %get3A_61, %get3A_64, %get3A_67, %get3A_70, %get3A_73, %get3A_76, %get3A_79, %get3A_82, %get3A_85, %get3A_88, %get3A_91, %get3A_94, %get3A_97, %get3A_100, %get3A_103, %get3A_106, %get3A_109, %get3A_112, %get3A_115 in 1 : vector<32x8xf32>, vector<32x8xf32>, vector<32x8xf32>, vector<32x8xf32>, vector<32x8xf32>, vector<32x8xf32>, vector<32x8xf32>, vector<32x8xf32>, vector<32x8xf32>, vector<32x8xf32>, vector<32x8xf32>, vector<32x8xf32>, vector<32x8xf32>, vector<32x8xf32>, vector<32x8xf32>, vector<32x8xf32>, vector<32x8xf32>, vector<32x8xf32>, vector<32x8xf32>, vector<32x8xf32>, vector<32x8xf32>, vector<32x8xf32>, vector<32x8xf32>, vector<32x8xf32>, vector<32x8xf32>, vector<32x8xf32>, vector<32x8xf32>, vector<32x8xf32>, vector<32x8xf32>, vector<32x8xf32>, vector<32x8xf32>, vector<32x8xf32> -> vector<32x256xf32>
    %convert_element_type3A_116 = arith.truncf %concatenate3A : vector<32x256xf32> to vector<32x256xbf16>
    %dot_general3A = arith.constant dense<0.000000e+00> : vector<256x2048xf32>
    %dot_general3A_117 = tpu.matmul %convert_element_type3A_116, %select_n3A, %dot_general3A {dimension_numbers = #tpu.dot_dimension_numbers<[0], [0], [1], [1], [0, 1, 1, 1], [], []>, transpose_lhs_hint = false} : vector<32x256xbf16>, vector<32x2048xbf16>, vector<256x2048xf32> -> vector<256x2048xf32>
    %slice3A = vector.extract_strided_slice %dot_general3A_117 {offsets = [0, 0], sizes = [8, 2048], strides = [1, 1]} : vector<256x2048xf32> to vector<8x2048xf32>
    %slice3A_118 = vector.extract_strided_slice %select_n3A_19 {offsets = [0, 0], sizes = [1, 2048], strides = [1, 1]} : vector<32x2048xf32> to vector<1x2048xf32>
    %mul3A = vector.broadcast %slice3A_118 : vector<1x2048xf32> to vector<8x2048xf32>
    %mul3A_119 = arith.mulf %slice3A, %mul3A : vector<8x2048xf32>
    %slice3A_120 = vector.extract_strided_slice %dot_general3A_117 {offsets = [8, 0], sizes = [8, 2048], strides = [1, 1]} : vector<256x2048xf32> to vector<8x2048xf32>
    %slice3A_121 = vector.extract_strided_slice %select_n3A_19 {offsets = [1, 0], sizes = [1, 2048], strides = [1, 1]} : vector<32x2048xf32> to vector<1x2048xf32>
    %mul3A_122 = vector.broadcast %slice3A_121 : vector<1x2048xf32> to vector<8x2048xf32>
    %mul3A_123 = arith.mulf %slice3A_120, %mul3A_122 : vector<8x2048xf32>
    %add3A = arith.addf %mul3A_119, %mul3A_123 : vector<8x2048xf32>
    %slice3A_124 = vector.extract_strided_slice %dot_general3A_117 {offsets = [16, 0], sizes = [8, 2048], strides = [1, 1]} : vector<256x2048xf32> to vector<8x2048xf32>
    %slice3A_125 = vector.extract_strided_slice %select_n3A_19 {offsets = [2, 0], sizes = [1, 2048], strides = [1, 1]} : vector<32x2048xf32> to vector<1x2048xf32>
    %mul3A_126 = vector.broadcast %slice3A_125 : vector<1x2048xf32> to vector<8x2048xf32>
    %mul3A_127 = arith.mulf %slice3A_124, %mul3A_126 : vector<8x2048xf32>
    %add3A_128 = arith.addf %add3A, %mul3A_127 : vector<8x2048xf32>
    %slice3A_129 = vector.extract_strided_slice %dot_general3A_117 {offsets = [24, 0], sizes = [8, 2048], strides = [1, 1]} : vector<256x2048xf32> to vector<8x2048xf32>
    %slice3A_130 = vector.extract_strided_slice %select_n3A_19 {offsets = [3, 0], sizes = [1, 2048], strides = [1, 1]} : vector<32x2048xf32> to vector<1x2048xf32>
    %mul3A_131 = vector.broadcast %slice3A_130 : vector<1x2048xf32> to vector<8x2048xf32>
    %mul3A_132 = arith.mulf %slice3A_129, %mul3A_131 : vector<8x2048xf32>
    %add3A_133 = arith.addf %add3A_128, %mul3A_132 : vector<8x2048xf32>
    %slice3A_134 = vector.extract_strided_slice %dot_general3A_117 {offsets = [32, 0], sizes = [8, 2048], strides = [1, 1]} : vector<256x2048xf32> to vector<8x2048xf32>
    %slice3A_135 = vector.extract_strided_slice %select_n3A_19 {offsets = [4, 0], sizes = [1, 2048], strides = [1, 1]} : vector<32x2048xf32> to vector<1x2048xf32>
    %mul3A_136 = vector.broadcast %slice3A_135 : vector<1x2048xf32> to vector<8x2048xf32>
    %mul3A_137 = arith.mulf %slice3A_134, %mul3A_136 : vector<8x2048xf32>
    %add3A_138 = arith.addf %add3A_133, %mul3A_137 : vector<8x2048xf32>
    %slice3A_139 = vector.extract_strided_slice %dot_general3A_117 {offsets = [40, 0], sizes = [8, 2048], strides = [1, 1]} : vector<256x2048xf32> to vector<8x2048xf32>
    %slice3A_140 = vector.extract_strided_slice %select_n3A_19 {offsets = [5, 0], sizes = [1, 2048], strides = [1, 1]} : vector<32x2048xf32> to vector<1x2048xf32>
    %mul3A_141 = vector.broadcast %slice3A_140 : vector<1x2048xf32> to vector<8x2048xf32>
    %mul3A_142 = arith.mulf %slice3A_139, %mul3A_141 : vector<8x2048xf32>
    %add3A_143 = arith.addf %add3A_138, %mul3A_142 : vector<8x2048xf32>
    %slice3A_144 = vector.extract_strided_slice %dot_general3A_117 {offsets = [48, 0], sizes = [8, 2048], strides = [1, 1]} : vector<256x2048xf32> to vector<8x2048xf32>
    %slice3A_145 = vector.extract_strided_slice %select_n3A_19 {offsets = [6, 0], sizes = [1, 2048], strides = [1, 1]} : vector<32x2048xf32> to vector<1x2048xf32>
    %mul3A_146 = vector.broadcast %slice3A_145 : vector<1x2048xf32> to vector<8x2048xf32>
    %mul3A_147 = arith.mulf %slice3A_144, %mul3A_146 : vector<8x2048xf32>
    %add3A_148 = arith.addf %add3A_143, %mul3A_147 : vector<8x2048xf32>
    %slice3A_149 = vector.extract_strided_slice %dot_general3A_117 {offsets = [56, 0], sizes = [8, 2048], strides = [1, 1]} : vector<256x2048xf32> to vector<8x2048xf32>
    %slice3A_150 = vector.extract_strided_slice %select_n3A_19 {offsets = [7, 0], sizes = [1, 2048], strides = [1, 1]} : vector<32x2048xf32> to vector<1x2048xf32>
    %mul3A_151 = vector.broadcast %slice3A_150 : vector<1x2048xf32> to vector<8x2048xf32>
    %mul3A_152 = arith.mulf %slice3A_149, %mul3A_151 : vector<8x2048xf32>
    %add3A_153 = arith.addf %add3A_148, %mul3A_152 : vector<8x2048xf32>
    %slice3A_154 = vector.extract_strided_slice %dot_general3A_117 {offsets = [64, 0], sizes = [8, 2048], strides = [1, 1]} : vector<256x2048xf32> to vector<8x2048xf32>
    %slice3A_155 = vector.extract_strided_slice %select_n3A_19 {offsets = [8, 0], sizes = [1, 2048], strides = [1, 1]} : vector<32x2048xf32> to vector<1x2048xf32>
    %mul3A_156 = vector.broadcast %slice3A_155 : vector<1x2048xf32> to vector<8x2048xf32>
    %mul3A_157 = arith.mulf %slice3A_154, %mul3A_156 : vector<8x2048xf32>
    %add3A_158 = arith.addf %add3A_153, %mul3A_157 : vector<8x2048xf32>
    %slice3A_159 = vector.extract_strided_slice %dot_general3A_117 {offsets = [72, 0], sizes = [8, 2048], strides = [1, 1]} : vector<256x2048xf32> to vector<8x2048xf32>
    %slice3A_160 = vector.extract_strided_slice %select_n3A_19 {offsets = [9, 0], sizes = [1, 2048], strides = [1, 1]} : vector<32x2048xf32> to vector<1x2048xf32>
    %mul3A_161 = vector.broadcast %slice3A_160 : vector<1x2048xf32> to vector<8x2048xf32>
    %mul3A_162 = arith.mulf %slice3A_159, %mul3A_161 : vector<8x2048xf32>
    %add3A_163 = arith.addf %add3A_158, %mul3A_162 : vector<8x2048xf32>
    %slice3A_164 = vector.extract_strided_slice %dot_general3A_117 {offsets = [80, 0], sizes = [8, 2048], strides = [1, 1]} : vector<256x2048xf32> to vector<8x2048xf32>
    %slice3A_165 = vector.extract_strided_slice %select_n3A_19 {offsets = [10, 0], sizes = [1, 2048], strides = [1, 1]} : vector<32x2048xf32> to vector<1x2048xf32>
    %mul3A_166 = vector.broadcast %slice3A_165 : vector<1x2048xf32> to vector<8x2048xf32>
    %mul3A_167 = arith.mulf %slice3A_164, %mul3A_166 : vector<8x2048xf32>
    %add3A_168 = arith.addf %add3A_163, %mul3A_167 : vector<8x2048xf32>
    %slice3A_169 = vector.extract_strided_slice %dot_general3A_117 {offsets = [88, 0], sizes = [8, 2048], strides = [1, 1]} : vector<256x2048xf32> to vector<8x2048xf32>
    %slice3A_170 = vector.extract_strided_slice %select_n3A_19 {offsets = [11, 0], sizes = [1, 2048], strides = [1, 1]} : vector<32x2048xf32> to vector<1x2048xf32>
    %mul3A_171 = vector.broadcast %slice3A_170 : vector<1x2048xf32> to vector<8x2048xf32>
    %mul3A_172 = arith.mulf %slice3A_169, %mul3A_171 : vector<8x2048xf32>
    %add3A_173 = arith.addf %add3A_168, %mul3A_172 : vector<8x2048xf32>
    %slice3A_174 = vector.extract_strided_slice %dot_general3A_117 {offsets = [96, 0], sizes = [8, 2048], strides = [1, 1]} : vector<256x2048xf32> to vector<8x2048xf32>
    %slice3A_175 = vector.extract_strided_slice %select_n3A_19 {offsets = [12, 0], sizes = [1, 2048], strides = [1, 1]} : vector<32x2048xf32> to vector<1x2048xf32>
    %mul3A_176 = vector.broadcast %slice3A_175 : vector<1x2048xf32> to vector<8x2048xf32>
    %mul3A_177 = arith.mulf %slice3A_174, %mul3A_176 : vector<8x2048xf32>
    %add3A_178 = arith.addf %add3A_173, %mul3A_177 : vector<8x2048xf32>
    %slice3A_179 = vector.extract_strided_slice %dot_general3A_117 {offsets = [104, 0], sizes = [8, 2048], strides = [1, 1]} : vector<256x2048xf32> to vector<8x2048xf32>
    %slice3A_180 = vector.extract_strided_slice %select_n3A_19 {offsets = [13, 0], sizes = [1, 2048], strides = [1, 1]} : vector<32x2048xf32> to vector<1x2048xf32>
    %mul3A_181 = vector.broadcast %slice3A_180 : vector<1x2048xf32> to vector<8x2048xf32>
    %mul3A_182 = arith.mulf %slice3A_179, %mul3A_181 : vector<8x2048xf32>
    %add3A_183 = arith.addf %add3A_178, %mul3A_182 : vector<8x2048xf32>
    %slice3A_184 = vector.extract_strided_slice %dot_general3A_117 {offsets = [112, 0], sizes = [8, 2048], strides = [1, 1]} : vector<256x2048xf32> to vector<8x2048xf32>
    %slice3A_185 = vector.extract_strided_slice %select_n3A_19 {offsets = [14, 0], sizes = [1, 2048], strides = [1, 1]} : vector<32x2048xf32> to vector<1x2048xf32>
    %mul3A_186 = vector.broadcast %slice3A_185 : vector<1x2048xf32> to vector<8x2048xf32>
    %mul3A_187 = arith.mulf %slice3A_184, %mul3A_186 : vector<8x2048xf32>
    %add3A_188 = arith.addf %add3A_183, %mul3A_187 : vector<8x2048xf32>
    %slice3A_189 = vector.extract_strided_slice %dot_general3A_117 {offsets = [120, 0], sizes = [8, 2048], strides = [1, 1]} : vector<256x2048xf32> to vector<8x2048xf32>
    %slice3A_190 = vector.extract_strided_slice %select_n3A_19 {offsets = [15, 0], sizes = [1, 2048], strides = [1, 1]} : vector<32x2048xf32> to vector<1x2048xf32>
    %mul3A_191 = vector.broadcast %slice3A_190 : vector<1x2048xf32> to vector<8x2048xf32>
    %mul3A_192 = arith.mulf %slice3A_189, %mul3A_191 : vector<8x2048xf32>
    %add3A_193 = arith.addf %add3A_188, %mul3A_192 : vector<8x2048xf32>
    %slice3A_194 = vector.extract_strided_slice %dot_general3A_117 {offsets = [128, 0], sizes = [8, 2048], strides = [1, 1]} : vector<256x2048xf32> to vector<8x2048xf32>
    %slice3A_195 = vector.extract_strided_slice %select_n3A_19 {offsets = [16, 0], sizes = [1, 2048], strides = [1, 1]} : vector<32x2048xf32> to vector<1x2048xf32>
    %mul3A_196 = vector.broadcast %slice3A_195 : vector<1x2048xf32> to vector<8x2048xf32>
    %mul3A_197 = arith.mulf %slice3A_194, %mul3A_196 : vector<8x2048xf32>
    %add3A_198 = arith.addf %add3A_193, %mul3A_197 : vector<8x2048xf32>
    %slice3A_199 = vector.extract_strided_slice %dot_general3A_117 {offsets = [136, 0], sizes = [8, 2048], strides = [1, 1]} : vector<256x2048xf32> to vector<8x2048xf32>
    %slice3A_200 = vector.extract_strided_slice %select_n3A_19 {offsets = [17, 0], sizes = [1, 2048], strides = [1, 1]} : vector<32x2048xf32> to vector<1x2048xf32>
    %mul3A_201 = vector.broadcast %slice3A_200 : vector<1x2048xf32> to vector<8x2048xf32>
    %mul3A_202 = arith.mulf %slice3A_199, %mul3A_201 : vector<8x2048xf32>
    %add3A_203 = arith.addf %add3A_198, %mul3A_202 : vector<8x2048xf32>
    %slice3A_204 = vector.extract_strided_slice %dot_general3A_117 {offsets = [144, 0], sizes = [8, 2048], strides = [1, 1]} : vector<256x2048xf32> to vector<8x2048xf32>
    %slice3A_205 = vector.extract_strided_slice %select_n3A_19 {offsets = [18, 0], sizes = [1, 2048], strides = [1, 1]} : vector<32x2048xf32> to vector<1x2048xf32>
    %mul3A_206 = vector.broadcast %slice3A_205 : vector<1x2048xf32> to vector<8x2048xf32>
    %mul3A_207 = arith.mulf %slice3A_204, %mul3A_206 : vector<8x2048xf32>
    %add3A_208 = arith.addf %add3A_203, %mul3A_207 : vector<8x2048xf32>
    %slice3A_209 = vector.extract_strided_slice %dot_general3A_117 {offsets = [152, 0], sizes = [8, 2048], strides = [1, 1]} : vector<256x2048xf32> to vector<8x2048xf32>
    %slice3A_210 = vector.extract_strided_slice %select_n3A_19 {offsets = [19, 0], sizes = [1, 2048], strides = [1, 1]} : vector<32x2048xf32> to vector<1x2048xf32>
    %mul3A_211 = vector.broadcast %slice3A_210 : vector<1x2048xf32> to vector<8x2048xf32>
    %mul3A_212 = arith.mulf %slice3A_209, %mul3A_211 : vector<8x2048xf32>
    %add3A_213 = arith.addf %add3A_208, %mul3A_212 : vector<8x2048xf32>
    %slice3A_214 = vector.extract_strided_slice %dot_general3A_117 {offsets = [160, 0], sizes = [8, 2048], strides = [1, 1]} : vector<256x2048xf32> to vector<8x2048xf32>
    %slice3A_215 = vector.extract_strided_slice %select_n3A_19 {offsets = [20, 0], sizes = [1, 2048], strides = [1, 1]} : vector<32x2048xf32> to vector<1x2048xf32>
    %mul3A_216 = vector.broadcast %slice3A_215 : vector<1x2048xf32> to vector<8x2048xf32>
    %mul3A_217 = arith.mulf %slice3A_214, %mul3A_216 : vector<8x2048xf32>
    %add3A_218 = arith.addf %add3A_213, %mul3A_217 : vector<8x2048xf32>
    %slice3A_219 = vector.extract_strided_slice %dot_general3A_117 {offsets = [168, 0], sizes = [8, 2048], strides = [1, 1]} : vector<256x2048xf32> to vector<8x2048xf32>
    %slice3A_220 = vector.extract_strided_slice %select_n3A_19 {offsets = [21, 0], sizes = [1, 2048], strides = [1, 1]} : vector<32x2048xf32> to vector<1x2048xf32>
    %mul3A_221 = vector.broadcast %slice3A_220 : vector<1x2048xf32> to vector<8x2048xf32>
    %mul3A_222 = arith.mulf %slice3A_219, %mul3A_221 : vector<8x2048xf32>
    %add3A_223 = arith.addf %add3A_218, %mul3A_222 : vector<8x2048xf32>
    %slice3A_224 = vector.extract_strided_slice %dot_general3A_117 {offsets = [176, 0], sizes = [8, 2048], strides = [1, 1]} : vector<256x2048xf32> to vector<8x2048xf32>
    %slice3A_225 = vector.extract_strided_slice %select_n3A_19 {offsets = [22, 0], sizes = [1, 2048], strides = [1, 1]} : vector<32x2048xf32> to vector<1x2048xf32>
    %mul3A_226 = vector.broadcast %slice3A_225 : vector<1x2048xf32> to vector<8x2048xf32>
    %mul3A_227 = arith.mulf %slice3A_224, %mul3A_226 : vector<8x2048xf32>
    %add3A_228 = arith.addf %add3A_223, %mul3A_227 : vector<8x2048xf32>
    %slice3A_229 = vector.extract_strided_slice %dot_general3A_117 {offsets = [184, 0], sizes = [8, 2048], strides = [1, 1]} : vector<256x2048xf32> to vector<8x2048xf32>
    %slice3A_230 = vector.extract_strided_slice %select_n3A_19 {offsets = [23, 0], sizes = [1, 2048], strides = [1, 1]} : vector<32x2048xf32> to vector<1x2048xf32>
    %mul3A_231 = vector.broadcast %slice3A_230 : vector<1x2048xf32> to vector<8x2048xf32>
    %mul3A_232 = arith.mulf %slice3A_229, %mul3A_231 : vector<8x2048xf32>
    %add3A_233 = arith.addf %add3A_228, %mul3A_232 : vector<8x2048xf32>
    %slice3A_234 = vector.extract_strided_slice %dot_general3A_117 {offsets = [192, 0], sizes = [8, 2048], strides = [1, 1]} : vector<256x2048xf32> to vector<8x2048xf32>
    %slice3A_235 = vector.extract_strided_slice %select_n3A_19 {offsets = [24, 0], sizes = [1, 2048], strides = [1, 1]} : vector<32x2048xf32> to vector<1x2048xf32>
    %mul3A_236 = vector.broadcast %slice3A_235 : vector<1x2048xf32> to vector<8x2048xf32>
    %mul3A_237 = arith.mulf %slice3A_234, %mul3A_236 : vector<8x2048xf32>
    %add3A_238 = arith.addf %add3A_233, %mul3A_237 : vector<8x2048xf32>
    %slice3A_239 = vector.extract_strided_slice %dot_general3A_117 {offsets = [200, 0], sizes = [8, 2048], strides = [1, 1]} : vector<256x2048xf32> to vector<8x2048xf32>
    %slice3A_240 = vector.extract_strided_slice %select_n3A_19 {offsets = [25, 0], sizes = [1, 2048], strides = [1, 1]} : vector<32x2048xf32> to vector<1x2048xf32>
    %mul3A_241 = vector.broadcast %slice3A_240 : vector<1x2048xf32> to vector<8x2048xf32>
    %mul3A_242 = arith.mulf %slice3A_239, %mul3A_241 : vector<8x2048xf32>
    %add3A_243 = arith.addf %add3A_238, %mul3A_242 : vector<8x2048xf32>
    %slice3A_244 = vector.extract_strided_slice %dot_general3A_117 {offsets = [208, 0], sizes = [8, 2048], strides = [1, 1]} : vector<256x2048xf32> to vector<8x2048xf32>
    %slice3A_245 = vector.extract_strided_slice %select_n3A_19 {offsets = [26, 0], sizes = [1, 2048], strides = [1, 1]} : vector<32x2048xf32> to vector<1x2048xf32>
    %mul3A_246 = vector.broadcast %slice3A_245 : vector<1x2048xf32> to vector<8x2048xf32>
    %mul3A_247 = arith.mulf %slice3A_244, %mul3A_246 : vector<8x2048xf32>
    %add3A_248 = arith.addf %add3A_243, %mul3A_247 : vector<8x2048xf32>
    %slice3A_249 = vector.extract_strided_slice %dot_general3A_117 {offsets = [216, 0], sizes = [8, 2048], strides = [1, 1]} : vector<256x2048xf32> to vector<8x2048xf32>
    %slice3A_250 = vector.extract_strided_slice %select_n3A_19 {offsets = [27, 0], sizes = [1, 2048], strides = [1, 1]} : vector<32x2048xf32> to vector<1x2048xf32>
    %mul3A_251 = vector.broadcast %slice3A_250 : vector<1x2048xf32> to vector<8x2048xf32>
    %mul3A_252 = arith.mulf %slice3A_249, %mul3A_251 : vector<8x2048xf32>
    %add3A_253 = arith.addf %add3A_248, %mul3A_252 : vector<8x2048xf32>
    %slice3A_254 = vector.extract_strided_slice %dot_general3A_117 {offsets = [224, 0], sizes = [8, 2048], strides = [1, 1]} : vector<256x2048xf32> to vector<8x2048xf32>
    %slice3A_255 = vector.extract_strided_slice %select_n3A_19 {offsets = [28, 0], sizes = [1, 2048], strides = [1, 1]} : vector<32x2048xf32> to vector<1x2048xf32>
    %mul3A_256 = vector.broadcast %slice3A_255 : vector<1x2048xf32> to vector<8x2048xf32>
    %mul3A_257 = arith.mulf %slice3A_254, %mul3A_256 : vector<8x2048xf32>
    %add3A_258 = arith.addf %add3A_253, %mul3A_257 : vector<8x2048xf32>
    %slice3A_259 = vector.extract_strided_slice %dot_general3A_117 {offsets = [232, 0], sizes = [8, 2048], strides = [1, 1]} : vector<256x2048xf32> to vector<8x2048xf32>
    %slice3A_260 = vector.extract_strided_slice %select_n3A_19 {offsets = [29, 0], sizes = [1, 2048], strides = [1, 1]} : vector<32x2048xf32> to vector<1x2048xf32>
    %mul3A_261 = vector.broadcast %slice3A_260 : vector<1x2048xf32> to vector<8x2048xf32>
    %mul3A_262 = arith.mulf %slice3A_259, %mul3A_261 : vector<8x2048xf32>
    %add3A_263 = arith.addf %add3A_258, %mul3A_262 : vector<8x2048xf32>
    %slice3A_264 = vector.extract_strided_slice %dot_general3A_117 {offsets = [240, 0], sizes = [8, 2048], strides = [1, 1]} : vector<256x2048xf32> to vector<8x2048xf32>
    %slice3A_265 = vector.extract_strided_slice %select_n3A_19 {offsets = [30, 0], sizes = [1, 2048], strides = [1, 1]} : vector<32x2048xf32> to vector<1x2048xf32>
    %mul3A_266 = vector.broadcast %slice3A_265 : vector<1x2048xf32> to vector<8x2048xf32>
    %mul3A_267 = arith.mulf %slice3A_264, %mul3A_266 : vector<8x2048xf32>
    %add3A_268 = arith.addf %add3A_263, %mul3A_267 : vector<8x2048xf32>
    %slice3A_269 = vector.extract_strided_slice %dot_general3A_117 {offsets = [248, 0], sizes = [8, 2048], strides = [1, 1]} : vector<256x2048xf32> to vector<8x2048xf32>
    %slice3A_270 = vector.extract_strided_slice %select_n3A_19 {offsets = [31, 0], sizes = [1, 2048], strides = [1, 1]} : vector<32x2048xf32> to vector<1x2048xf32>
    %mul3A_271 = vector.broadcast %slice3A_270 : vector<1x2048xf32> to vector<8x2048xf32>
    %mul3A_272 = arith.mulf %slice3A_269, %mul3A_271 : vector<8x2048xf32>
    %add3A_273 = arith.addf %add3A_268, %mul3A_272 : vector<8x2048xf32>
    %get3A_274 = arith.constant 0 : index
    %get3A_275 = arith.constant 0 : index
    %get3A_276 = vector.load %arg3[%get3A_274, %get3A_275] : memref<5x1000xf32, #tpu.memory_space<vmem>>, vector<5x1000xf32>
    %get3A_277 = arith.constant 0 : index
    %get3A_278 = arith.constant 0 : index
    %get3A_279 = vector.load %arg4[%get3A_277, %get3A_278] : memref<1x1000xf32, #tpu.memory_space<vmem>>, vector<1x1000xf32>
    %broadcast_in_dim3A_280 = arith.constant 0.000000e+00 : f32
    %broadcast_in_dim3A_281 = vector.broadcast %broadcast_in_dim3A_280 : f32 to vector<2x1000xf32>
    %concatenate3A_282 = tpu.concatenate %get3A_276, %get3A_279, %broadcast_in_dim3A_281 in 0 : vector<5x1000xf32>, vector<1x1000xf32>, vector<2x1000xf32> -> vector<8x1000xf32>
    %convert_element_type3A_283 = arith.truncf %concatenate3A_282 : vector<8x1000xf32> to vector<8x1000xbf16>
    %convert_element_type3A_284 = arith.truncf %add3A_273 : vector<8x2048xf32> to vector<8x2048xbf16>
    %dot_general3A_285 = arith.constant dense<0.000000e+00> : vector<1000x2048xf32>
    %dot_general3A_286 = tpu.matmul %convert_element_type3A_283, %convert_element_type3A_284, %dot_general3A_285 {dimension_numbers = #tpu.dot_dimension_numbers<[0], [0], [1], [1], [0, 1, 1, 1], [], []>, transpose_lhs_hint = false} : vector<8x1000xbf16>, vector<8x2048xbf16>, vector<1000x2048xf32> -> vector<1000x2048xf32>
    %swap3A = arith.constant 0 : index
    %swap3A_287 = arith.constant 0 : index
    %swap3A_288 = vector.load %arg5[%swap3A, %swap3A_287] : memref<1000x2048xf32, #tpu.memory_space<vmem>>, vector<1000x2048xf32>
    tpu.vector_store %arg5[%swap3A, %swap3A_287], %dot_general3A_286 {strides = array<i32>} : memref<1000x2048xf32, #tpu.memory_space<vmem>>, vector<1000x2048xf32>,
    return
  }
  func.func @transform_0(%arg0: i32) -> (i32, i32) {
    %add3A = arith.constant 2 : i32
    %add3A_0 = arith.addi %arg0, %add3A : i32
    %c0_i32 = arith.constant 0 : i32
    %c0_i32_1 = arith.constant 0 : i32
    return %c0_i32, %add3A_0 : i32, i32
  }
  func.func @transform_1(%arg0: i32) -> (i32, i32) {
    %c0_i32 = arith.constant 0 : i32
    %c0_i32_0 = arith.constant 0 : i32
    %c0_i32_1 = arith.constant 0 : i32
    return %c0_i32, %c0_i32_0 : i32, i32
  }
  func.func @transform_2(%arg0: i32) -> (i32, i32) {
    %c0_i32 = arith.constant 0 : i32
    %c0_i32_0 = arith.constant 0 : i32
    %c0_i32_1 = arith.constant 0 : i32
    return %c0_i32, %c0_i32_0 : i32, i32
  }
  func.func @transform_3(%arg0: i32) -> (i32, i32) {
    %c0_i32 = arith.constant 0 : i32
    %c0_i32_0 = arith.constant 0 : i32
    %c0_i32_1 = arith.constant 0 : i32
    return %c0_i32, %c0_i32_0 : i32, i32
  }
  func.func @transform_4(%arg0: i32) -> (i32, i32) {
    %add3A = arith.constant 2 : i32
    %add3A_0 = arith.addi %arg0, %add3A : i32
    %c0_i32 = arith.constant 0 : i32
    %c0_i32_1 = arith.constant 0 : i32
    return %c0_i32, %add3A_0 : i32, i32
  }
}

module attributes {stable_mosaic.version = 14 : i64} {
  func.func @_tc2_body(%arg0: i32, %arg1: memref<1000x8192xf32, #tpu.memory_space<any>>, %arg2: memref<5x1000xf32, #tpu.memory_space<vmem>>, %arg3: memref<1x1000xf32, #tpu.memory_space<vmem>>, %arg4: memref<2048x128xf32, #tpu.memory_space<vmem>>, %arg5: memref<1000x2048xf32, #tpu.memory_space<vmem>>) attributes {dimension_semantics = [#tpu.dimension_semantics<arbitrary>], iteration_bounds = array<i64: 2>, scalar_prefetch = 0 : i64, scratch_operands = 0 : i64, tpu.core_type = #tpu.core_type<tc>, window_params = [{}, {pipeline_mode = #tpu.pipeline_mode<synchronous>, transform_indices = @transform_1, window_bounds = array<i64: 5, 1000>}, {pipeline_mode = #tpu.pipeline_mode<synchronous>, transform_indices = @transform_2, window_bounds = array<i64: 1, 1000>}, {transform_indices = @transform_3, window_bounds = array<i64: 2048, 128>}, {transform_indices = @transform_4, window_bounds = array<i64: 1000, 2048>}]} {
    %get3A = arith.constant 0 : index
    %get3A_0 = arith.constant 0 : index
    %get3A_1 = vector.load %arg4[%get3A, %get3A_0] : memref<2048x128xf32, #tpu.memory_space<vmem>>, vector<2048x128xf32>
    %slice3A = vector.extract_strided_slice %get3A_1 {offsets = [0, 0], sizes = [2048, 8], strides = [1, 1]} : vector<2048x128xf32> to vector<2048x8xf32>
    %convert_element_type3A = arith.truncf %slice3A : vector<2048x8xf32> to vector<2048x8xbf16>
    %get3A_2 = arith.constant 0 : index
    %get3A_3 = arith.constant 0 : index
    %get3A_4 = vector.load %arg2[%get3A_2, %get3A_3] : memref<5x1000xf32, #tpu.memory_space<vmem>>, vector<5x1000xf32>
    %get3A_5 = arith.constant 0 : index
    %get3A_6 = arith.constant 0 : index
    %get3A_7 = vector.load %arg3[%get3A_5, %get3A_6] : memref<1x1000xf32, #tpu.memory_space<vmem>>, vector<1x1000xf32>
    %broadcast_in_dim3A = arith.constant 0.000000e+00 : f32
    %broadcast_in_dim3A_8 = vector.broadcast %broadcast_in_dim3A : f32 to vector<2x1000xf32>
    %concatenate3A = tpu.concatenate %get3A_4, %get3A_7, %broadcast_in_dim3A_8 in 0 : vector<5x1000xf32>, vector<1x1000xf32>, vector<2x1000xf32> -> vector<8x1000xf32>
    %convert_element_type3A_9 = arith.truncf %concatenate3A : vector<8x1000xf32> to vector<8x1000xbf16>
    %dot_general3A = arith.constant dense<0.000000e+00> : vector<1000x2048xf32>
    %dot_general3A_10 = tpu.matmul %convert_element_type3A_9, %convert_element_type3A, %dot_general3A {dimension_numbers = #tpu.dot_dimension_numbers<[0], [1], [1], [0], [0, 1, 1, 0], [], []>, transpose_lhs_hint = false} : vector<8x1000xbf16>, vector<2048x8xbf16>, vector<1000x2048xf32> -> vector<1000x2048xf32>
    %swap3A = arith.constant 0 : index
    %swap3A_11 = arith.constant 0 : index
    %swap3A_12 = vector.load %arg5[%swap3A, %swap3A_11] : memref<1000x2048xf32, #tpu.memory_space<vmem>>, vector<1000x2048xf32>
    tpu.vector_store %arg5[%swap3A, %swap3A_11], %dot_general3A_10 {strides = array<i32>} : memref<1000x2048xf32, #tpu.memory_space<vmem>>, vector<1000x2048xf32>,
    return
  }
  func.func @transform_1(%arg0: i32) -> (i32, i32) {
    %c0_i32 = arith.constant 0 : i32
    %c0_i32_0 = arith.constant 0 : i32
    %c0_i32_1 = arith.constant 0 : i32
    return %c0_i32, %c0_i32_0 : i32, i32
  }
  func.func @transform_2(%arg0: i32) -> (i32, i32) {
    %c0_i32 = arith.constant 0 : i32
    %c0_i32_0 = arith.constant 0 : i32
    %c0_i32_1 = arith.constant 0 : i32
    return %c0_i32, %c0_i32_0 : i32, i32
  }
  func.func @transform_3(%arg0: i32) -> (i32, i32) {
    %c0_i32 = arith.constant 0 : i32
    %c0_i32_0 = arith.constant 0 : i32
    return %arg0, %c0_i32 : i32, i32
  }
  func.func @transform_4(%arg0: i32) -> (i32, i32) {
    %c0_i32 = arith.constant 0 : i32
    %c0_i32_0 = arith.constant 0 : i32
    return %c0_i32, %arg0 : i32, i32
  }
}

</mosaic_0001>

<sc_bundles>
// kernel: kernel.5.cloned.1.call-start
scs
__scs_entry_jumppad:
0x0: {  	(pc) =	sbr.rel $0x88, $3  }
0x1: {  	(tag) =	ssettag $0x0;
	lr =	simm.s32 $0x1  }
0x2: {  	[smem:$0x3F9D] =	sst lr;
	_ =	strace $0xD0000000  }
0x3: {  	_ = 	snop  }
0x4: {  	_ = 	snop  }
0x5: {  	_ = 	snop  }
0x6: {  	_ = 	snop  }
0x7: {  	_ = 	snop  }
__scs_overlays_trampoline_lowered:
0x8: {  	[smem:$0x3FAC] =	sst s0  }
0x9: {  	[smem:$0x3FAD] =	sst s1  }
0xa: {  	[smem:$0x3FAE] =	sst s2  }
0xb: {  	[smem:$0x3FAF] =	sst s3  }
0xc: {  	[smem:$0x3FB0] =	sst s4  }
0xd: {  	[smem:$0x3FB1] =	sst s5  }
0xe: {  	[smem:$0x3FB2] =	sst s6  }
0xf: {  	[smem:$0x3FB3] =	sst s7  }
0x10: {  	[smem:$0x3FB4] =	sst s8  }
0x11: {  	[smem:$0x3FB5] =	sst s9;
	s0 =	simm.s32 @!p0 $0x0  }
0x12: {  	s1 =	sld [smem:$0x3F9B];
	s0 =	simm.s32 @p0 $0x1  }
0x13: {  	[smem:$0x3FB6] =	sst s0;
	s0 =	simm.s32 @!p1 $0x0  }
0x14: {  	s2 =	sld [smem:$0x3F9A];
	s0 =	simm.s32 @p1 $0x1  }
0x15: {  	[smem:$0x3FB7] =	sst s0;
	s0 =	simm.s32 @!p2 $0x0  }
0x16: {  	s3 =	sld [smem:$0x3FDB];
	s0 =	simm.s32 @p2 $0x1  }
0x17: {  	s4 =	simm.s32 $0x1BF5;
	[smem:$0x3FB9] =	sst s0  }
0x18: {  	s0 =	sld [smem:$0x3F9C];
	_ =	swait.ge [sflag:s4], $0x0  }
0x19: {  	s7 =	sld [smem:$0x3F9D]  }
0x1a: {  	s8 =	sadd.s32 $0xFFFFE003, lr  }
0x1b: {  	s9 =	sadd.s32 $0xFFFFFEF7, lr;
	s5 =	simm.s32 $0xFFFFFFFF;
	p2 =	slt.u32 s8, $0xFFFFF086  }
0x1c: {  	p1 =	slt.u32 s9, $0xF7A;
	s5 =	simm.s32 @!p2 $0x0  }
0x1d: {  	s5 =	simm.s32 @p1 $0x1;
	p0 =	seq.s32 s7, s2  }
0x1e: {  	s7 =	smul.u32 @!p0 $0xF7A, s2;
	p2 =	seq.s32 @!p0 s5, $0x0  }
0x1f: {  	s9 =	smul.u32 $0xF7A, s1;
	s8 =	simm.s32 @!p0 $0x1BF5;
	p2 =	por !p2, p0  }
0x20: {  	[sflag:s8] =	ssyncset.s32 @!p0 $0xFFFFF086;
	s6 =	sadd.s32 @!p0 s3, s7;
	s7 =	simm.s32 @!p0 $0x108  }
0x21: {  	s3 =	sadd.s32 s3, s9;
	s6 =	sadd.s32 @!p0 $0x88, s6;
	s7 =	simm.s32 @p2 $0x1082  }
0x22: {  	[simem:s7], [sflag:s8] =	dma.local @!p0 [hbm:s6], $0xF7A  }
0x23: {  	s9 =	sor.u32 $0xD0000000, s2;
	s6 =	simm.s32 $0x108;
	_ =	swait.ge @!p0 [sflag:s8], $0x0  }
0x24: {  	s3 =	sadd.s32 $0x88, s3;
	s6 =	simm.s32 @!p1 $0x1082;
	[sflag:s4] =	ssyncset.s32 $0xFFFFF086  }
0x25: {  	[simem:s6], [sflag:s4] =	dma.local [hbm:s3], $0xF7A  }
0x26: {  	[smem:$0x3F9D] =	sst s1;
	(tag) =	ssettag s2;
	_ =	strace s9  }
0x27: {  	s1 =	sld [smem:$0x3FAD]  }
0x28: {  	s2 =	sld [smem:$0x3FAE]  }
0x29: {  	s4 =	sld [smem:$0x3FB0]  }
0x2a: {  	p0 =	seq.s32 s5, $0x0;
	s5 =	sld [smem:$0x3FB1]  }
0x2b: {  	s6 =	sld [smem:$0x3FB2]  }
0x2c: {  	s7 =	sld [smem:$0x3FB3]  }
0x2d: {  	s3 =	simm.s32 $0x108;
	s8 =	sld [smem:$0x3FB4]  }
0x2e: {  	s3 =	simm.s32 @!p0 $0x1082;
	s9 =	sld [smem:$0x3FB5]  }
0x2f: {  	lr =	sadd.s32 s0, s3;
	s0 =	sld [smem:$0x3FAC]  }
0x30: {  	s3 =	sld [smem:$0x3FAF]  }
0x31: {  	[smem:$0x3FB8] =	sst s10  }
0x32: {  	s10 =	sld [smem:$0x3FB6];
	_ =	sdelay $0x3  }
0x33: {  	p0 =	seq.s32 s10, $0x1;
	s10 =	sld [smem:$0x3FB8];
	_ =	sdelay $0x3  }
0x34: {  	[smem:$0x3FB8] =	sst s10  }
0x35: {  	s10 =	sld [smem:$0x3FB7];
	_ =	sdelay $0x3  }
0x36: {  	p1 =	seq.s32 s10, $0x1;
	s10 =	sld [smem:$0x3FB8];
	_ =	sdelay $0x3  }
0x37: {  	[smem:$0x3FB8] =	sst s10  }
0x38: {  	s10 =	sld [smem:$0x3FB9]  }
0x39: {  	_ = 	snop;
	(pc) =	sbr.ind lr, $3  }
0x3a: {  	_ = 	snop  }
0x3b: {  	_ = 	snop  }
0x3c: {  	p2 =	seq.s32 s10, $0x1;
	s10 =	sld [smem:$0x3FB8]  }
0x3d: {  	_ =	shalt  }
0x3e: {  	_ =	shalt  }
0x3f: {  	_ =	shalt  }
0x40: {  	_ =	shalt  }
0x41: {  	_ =	shalt  }
0x42: {  	_ =	shalt  }
0x43: {  	_ =	shalt  }
0x44: {  	_ =	shalt  }
0x45: {  	_ =	shalt  }
0x46: {  	_ =	shalt  }
0x47: {  	_ =	shalt  }
0x48: {  	_ =	shalt  }
0x49: {  	_ =	shalt  }
0x4a: {  	_ =	shalt  }
0x4b: {  	_ =	shalt  }
0x4c: {  	_ =	shalt  }
0x4d: {  	_ =	shalt  }
0x4e: {  	_ =	shalt  }
0x4f: {  	_ =	shalt  }
0x50: {  	_ =	shalt  }
0x51: {  	_ =	shalt  }
0x52: {  	_ =	shalt  }
0x53: {  	_ =	shalt  }
0x54: {  	_ =	shalt  }
0x55: {  	_ =	shalt  }
0x56: {  	_ =	shalt  }
0x57: {  	_ =	shalt  }
0x58: {  	_ =	shalt  }
0x59: {  	_ =	shalt  }
0x5a: {  	_ =	shalt  }
0x5b: {  	_ =	shalt  }
0x5c: {  	_ =	shalt  }
0x5d: {  	_ =	shalt  }
0x5e: {  	_ =	shalt  }
0x5f: {  	_ =	shalt  }
0x60: {  	_ =	shalt  }
0x61: {  	_ =	shalt  }
0x62: {  	_ =	shalt  }
0x63: {  	_ =	shalt  }
0x64: {  	_ =	shalt  }
0x65: {  	_ =	shalt  }
0x66: {  	_ =	shalt  }
0x67: {  	_ =	shalt  }
0x68: {  	_ =	shalt  }
0x69: {  	_ =	shalt  }
0x6a: {  	_ =	shalt  }
0x6b: {  	_ =	shalt  }
0x6c: {  	_ =	shalt  }
0x6d: {  	_ =	shalt  }
0x6e: {  	_ =	shalt  }
0x6f: {  	_ =	shalt  }
0x70: {  	_ =	shalt  }
0x71: {  	_ =	shalt  }
0x72: {  	_ =	shalt  }
0x73: {  	_ =	shalt  }
0x74: {  	_ =	shalt  }
0x75: {  	_ =	shalt  }
0x76: {  	_ =	shalt  }
0x77: {  	_ =	shalt  }
0x78: {  	_ =	shalt  }
0x79: {  	_ =	shalt  }
0x7a: {  	_ =	shalt  }
0x7b: {  	_ =	shalt  }
0x7c: {  	_ =	shalt  }
0x7d: {  	_ =	shalt  }
0x7e: {  	_ =	shalt  }
0x7f: {  	_ =	shalt  }
0x80: {  	_ =	shalt  }
0x81: {  	_ =	shalt  }
0x82: {  	_ =	shalt  }
0x83: {  	_ =	shalt  }
0x84: {  	_ =	shalt  }
0x85: {  	_ =	shalt  }
0x86: {  	_ =	shalt  }
0x87: {  	_ =	shalt  }
.Lfunc_end0:
.L_simem_size_0:
called_computation_lowered:
.L_overlay_start_0:
0x88: {  	s2 =	sld [smem:$0x3FD9]  }
0x89: {  	s3 =	sld [smem:$0x3FFE];
	_ =	sdelay $0x1  }
0x8a: {  	s1 =	srdreg.scid  }
0x8b: {  	s0 =	sand.u32 $0x1, s1  }
0x8c: {  	s17 =	sshll.u32 s0, $0xA;
	s2 =	sadd.s32 s3, s2  }
0x8d: {  	s2 =	sadd.s32 s2, s17  }
0x8e: {  	[smem:$0x3FC4] =	sst s2  }
0x8f: {  	_ = 	snop  }
0x90: {  	s2 =	sld [smem:$0x3FC9];
	(tm) =	ssettm $0x1  }
0x91: {  	s18 =	sld [smem:$0x3FFB];
	_ =	sdelay $0x3  }
0x92: {  	_ =	strace s18  }
0x93: {  	s3 =	sld [smem:$0x3FFC];
	_ =	sdelay $0x3  }
0x94: {  	_ =	strace s3  }
0x95: {  	s3 =	sld [smem:$0x3FFD];
	_ =	sdelay $0x3  }
0x96: {  	_ =	strace s3  }
0x97: {  	_ =	strace $0x8FFFFFFF  }
0x98: {  	s19 =	sld [smem:$0x3FDB];
	_ =	sdelay $0x1  }
0x99: {  	s4 =	simm.s32 $_scs_section_size  }
0x9a: {  	s5 =	simm.s32 $_size__tile_overlayer_lowered;
	s6 =	simm.s32 $_tile_overlayer_lowered  }
0x9b: {  	s22 =	simm.s32 $0x1BFF;
	s21 =	sshll.u32 s6, $0x1;
	s3 =	sadd.s32 s4, s19  }
0x9c: {  	s7 =	simm.s32 $0x0;
	s20 =	sshll.u32 s5, $0x1;
	s5 =	sadd.s32 s21, s3  }
0x9d: {  	[timem:s7], [sflag:s22] =	dma.local [hbm:s5], s20  }
0x9e: {  	_ =	swait.ge [sflag:s22], s20  }
0x9f: {  	s4 =	ssub.s32 $0x0, s20;
	[sflag:s22] =	ssyncset.done $0x0  }
0xa0: {  	[sflag:s22] =	ssyncadd.s32 s4;
	_ =	sdelay $0x1  }
0xa1: {  	s23 =	simm.s32 $0x1B8B  }
0xa2: {  	_ =	swait.ge [sflag:s23], $0x1  }
0xa3: {  	[sflag:s23] =	ssyncset.done $0x0  }
0xa4: {  	s25 =	simm.s32 $0x1B8E;
	s24 =	sld [smem:$0x3FFE];
	[sflag:s23] =	ssyncadd.s32 $0xFFFFFFFF  }
0xa5: {  	s26 =	simm.s32 $execute0_lowered;
	[smem:$0x3FD2] =	sst s25  }
0xa6: {  	s5 =	sshll.u32 s26, $0x1;
	_ =	strace $0x80000046;
	[dreg:$0x1] =	wrdreg $0xFFFFFFFF  }
0xa7: {  	s28 =	simm.s32 $_size_execute0_lowered;
	s3 =	sadd.s32 s3, s5;
	[dreg:$0x0] =	wrdreg $0x0  }
0xa8: {  	s5 =	sshll.u32 s28, $0x1;
	[dreg:$0x2] =	wrdreg s3  }
0xa9: {  	[dreg:$0x3] =	wrdreg s5  }
0xaa: {  	[dreg:$0x4] =	wrdreg $0xC0  }
0xab: {  	_ =	task [dreg:s7], $0x5FFFF  }
0xac: {  	[dreg:$0x1] =	wrdreg $0xFFFFFFFF  }
0xad: {  	[dreg:$0x0] =	wrdreg $0x60  }
0xae: {  	[dreg:$0x2] =	wrdreg s2  }
0xaf: {  	[dreg:$0x3] =	wrdreg s24  }
0xb0: {  	[dreg:$0x4] =	wrdreg $0x9  }
0xb1: {  	_ =	task.clear_ibuf [dreg:s7], $0x5FFFF;
	_ =	strace $0x90000046  }
0xb2: {  	s29 =	simm.s32 $0x9;
	_ =	strace $0x80000048  }
0xb3: {  	_ =	swait.ge [sflag:s29], $0x1  }
0xb4: {  	[sflag:s29] =	ssyncadd.s32 $0xFFFFFFFF  }
0xb5: {  	_ =	strace $0x90000048  }
0xb6: {  	_ =	sfence  }
0xb7: {  	s30 =	sld [smem:$0x0];
	_ =	sdelay $0x2  }
0xb8: {  	s31 =	sshll.u32 s1, $0xD;
	s1 =	sshrl.u32 s1, $0x2  }
0xb9: {  	s3 =	sand.u32 $0x4000, s31;
	s1 =	sadd.s32 s1, s30  }
0xba: {  	s0 =	sor.u32 s3, s0;
	s1 =	sshll.u32 s1, $0x11  }
0xbb: {  	s0 =	sor.u32 s1, s0  }
0xbc: {  	s0 =	sadd.s32 $0x8F2B, s0  }
0xbd: {  	[sflag:s0] =	ssyncadd.remote.s32 $0x1  }
0xbe: {  	_ =	sfence.sel $0xFFFF  }
0xbf: {  	[dreg:$0x0] =	wrdreg $0xFFFFFFFF;
	(pc) =	sbr.abs _section_cstart, $3  }
0xc0: {  	[dreg:$0x1] =	wrdreg $0xFFFFFFFF  }
0xc1: {  	_ =	task.clear_ibuf [dreg:s7], $0x2FFFF;
	_ =	strace $0x9FFFFFFF  }
0xc2: {  	(tm) =	ssettm $0x7FFFFFFF  }
0xc3: {  	_ =	shalt  }
tec
execute0_lowered:
.L_overlay_start_1:
0x0: {  	(tag) =	ssettag $0x1  }
0x1: {  	s1 =	srdreg.scid  }
0x2: {  	s3 =	rddreg [dreg:$0x0];
	s0 =	stileid.u32  }
0x3: {  	s8 =	rddreg [dreg:$0x1];
	s2 =	simm.s32 $0x0;
	s6 =	sand.u32 $0x1, s1  }
0x4: {  	s4 =	sshll.u32 s0, $0x8;
	s1 =	rddreg [dreg:$0x2];
	s5 =	sshll.u32 s6, $0x7  }
0x5: {  	s7 =	simm.s32 $0x1;
	[smem:$0x7FF] =	sst s2;
	s9 =	sor.u32 s5, s4  }
0x6: {  	_ =	strace $0x80000047;
	s10 =	ssub.s32 $0x2, s6;
	s4 =	sshrl.u32 s9, $0x3  }
0x7: {  	s6 =	simm.s32 $0x80;
	s4 =	sadd.s32 s3, s4;
	s3 =	simm.s32 $0x2  }
0x8: {  	[tilespmem:s2], [sflag:$0x2] =	stream.linear.gather [hbm4b:s4+s2], $0x80, $0x38;
	[tilespmem:$0x4080] =	vst v63  }
0x9: {  	s5 =	sadd.s32 $0x1200, s8;
	s11 =	sshrl.u32 s10, $0x1;
	_ =	swait.ge [sflag:s3], $0x80  }
0xa: {  	s9 =	sshll.u32 s9, $0x4;
	s31 =	ssub.s32 s10, s11;
	[sflag:s3] =	ssyncset.done $0x0  }
0xb: {  	s8 =	sadd.s32 s9, s8;
	s9 =	smax.u32 s31, $0x1;
	[sflag:s3] =	ssyncadd.s32 $0xFFFFFF80  }
0xc: {  	[tilespmem:s6], [sflag:$0x1] =	stream.indirect.gather [hbm4b:s5+s6], $0x80, s2, s6, $0xb8;
	[tilespmem:$0x4080] =	vst v63  }
0xd: {  	p0 =	sne.s32 s9, $0x1;
	_ =	swait.ge [sflag:s7], $0x4000  }
.Ltmp0:
0xe: {  	[sflag:s7] =	ssyncset.done $0x0;
	(pc) =	sbr.rel @!p0 .LBB2_2-.Ltmp0, $4  }
0xf: {  	s8 =	sadd.s32 $0x5200, s8;
	[sflag:s7] =	ssyncadd.s32 $0xFFFFC000  }
0x10: {  	[hbm4b:s8+s2] =	stream.linear.scatter [tilespmem:s6], [sflag:$0x2], $0x4000, $0x38;
	[tilespmem:$0x4080] =	vst v63  }
0x11: {  	_ =	swait.ge [sflag:s3], $0x4000  }
0x12: {  	s9 =	sadd.s32 $0xFFFFFFFF, s9;
	[sflag:s3] =	ssyncset.done $0x0  }
.LBB2_1:
0x13: {  	p0 =	sne.s32 s9, $0x1;
	s9 =	sadd.s32 $0xFFFFFFFF, s9;
	[sflag:s3] =	ssyncadd.s32 $0xFFFFC000  }
0x14: {  	[tilespmem:s2], [sflag:$0x2] =	stream.linear.gather [hbm4b:s4+s2], $0x80, $0x38;
	[tilespmem:$0x4080] =	vst v63  }
0x15: {  	_ =	swait.ge [sflag:s3], $0x80  }
0x16: {  	[sflag:s3] =	ssyncset.done $0x0  }
0x17: {  	[sflag:s3] =	ssyncadd.s32 $0xFFFFFF80  }
0x18: {  	[tilespmem:s6], [sflag:$0x1] =	stream.indirect.gather [hbm4b:s5+s6], $0x80, s2, s6, $0xb8;
	[tilespmem:$0x4080] =	vst v63  }
0x19: {  	_ =	swait.ge [sflag:s7], $0x4000  }
.Ltmp1:
0x1a: {  	[sflag:s7] =	ssyncset.done $0x0;
	(pc) =	sbr.rel @p0 .LBB2_1-.Ltmp1, $4  }
0x1b: {  	[sflag:s7] =	ssyncadd.s32 $0xFFFFC000  }
0x1c: {  	[hbm4b:s8+s2] =	stream.linear.scatter [tilespmem:s6], [sflag:$0x2], $0x4000, $0x38;
	[tilespmem:$0x4080] =	vst v63  }
0x1d: {  	_ =	swait.ge [sflag:s3], $0x4000  }
0x1e: {  	[sflag:s3] =	ssyncset.done $0x0  }
.LBB2_2:
0x1f: {  	[sflag:s3] =	ssyncadd.s32 $0xFFFFC000  }
0x20: {  	_ =	sfence.sel $0x180000  }
0x21: {  	[bflag:$0x0] =	sbarrier.arrive $0xFFFF  }
0x22: {  	p0 =	sne.s32 s0, $0x0;
	_ =	strace $0x90000047  }
0x23: {  	s0 =	sadd.s32 @!p0 $0x100000, s1;
	[bflag:$0x2] =	sbarrier.arrive $0xFFFF  }
0x24: {  	[sflag:s0] =	ssyncadd.tile.s32 @!p0 $0x1;
	_ =	shalt  }
.Lfunc_end2:
_tile_overlayer_lowered:
.L_overlay_start_2:
0x25: {  	(tag) =	ssettag $0x2  }
0x26: {  	s0 =	rddreg [dreg:$0x0];
	s2 =	stileid.u32  }
0x27: {  	s1 =	rddreg [dreg:$0x1];
	p0 =	sne.s32 s2, $0x0  }
0x28: {  	s3 =	rddreg [dreg:$0x2];
	[bflag:$0x3] =	sbarrier.arrive $0xFFFF;
	s2 =	simm.s32 @!p0 $0x1C02  }
0x29: {  	[timem:s3], [sflag:s2] =	dma.local @!p0 [hbm:s0], s1  }
0x2a: {  	s0 =	simm.s32 @!p0 $0x2  }
0x2b: {  	_ =	swait.ge @!p0 [sflag:s0], s1  }
0x2c: {  	s1 =	ssub.s32 @!p0 $0x0, s1;
	[sflag:s0] =	ssyncset.done @!p0 $0x0  }
0x2d: {  	[sflag:s0] =	ssyncadd.s32 @!p0 s1  }
0x2e: {  	[bflag:$0x3] =	sbarrier.arrive $0xFFFF  }
0x2f: {  	_ =	shalt  }

</sc_bundles>
